<compile_context>
chip_gen: v7x
topology: tpu7x:2x2x1
jax: 0.10.2.dev20260603
libtpu: 0.0.44.dev20260713+nightly
codegen_flags: <defaults>
</compile_context>

<pallas_src>
import functools

import jax
import jax.numpy as jnp
from jax import lax
from jax.experimental import pallas as pl
from jax.experimental.pallas import tpu as pltpu
from jax.experimental.pallas import tpu_sc as plsc


def _tc_kernel(x_ref, logz_ref, mode_ref, m_ref, s_ref, idx_ref, *, blk, v, nb):
    i = pl.program_id(0)
    b = x_ref.shape[0]

    @pl.when(i == 0)
    def _init():
        m_ref[:, :] = jnp.full((b, 1), -jnp.inf, jnp.float32)
        s_ref[:, :] = jnp.zeros((b, 1), jnp.float32)
        idx_ref[:, :] = jnp.zeros((b, 1), jnp.int32)

    def _step(xm):
        cols = i * blk + jax.lax.broadcasted_iota(jnp.int32, (b, blk), 1)
        bmax = jnp.max(xm, axis=1, keepdims=True)
        bidx = jnp.min(jnp.where(xm == bmax, cols, v), axis=1, keepdims=True)
        s_ref[:, :] += jnp.sum(jnp.exp(xm), axis=1, keepdims=True)
        m_old = m_ref[:, :]
        idx_ref[:, :] = jnp.where(bmax > m_old, bidx, idx_ref[:, :])
        m_ref[:, :] = jnp.maximum(m_old, bmax)

    @pl.when(i < nb - 1)
    def _full():
        _step(x_ref[:, :])

    @pl.when(i == nb - 1)
    def _tail():
        lanes = jax.lax.broadcasted_iota(jnp.int32, (b, blk), 1)
        _step(jnp.where(lanes < (v - (nb - 1) * blk), x_ref[:, :], -jnp.inf))
        logz_ref[:, :] = jnp.log(s_ref[:, :])
        mode_ref[:, :] = idx_ref[:, :]


def _tc_pass(logits, blk):
    b, v = logits.shape
    nb = pl.cdiv(v, blk)
    return pl.pallas_call(
        functools.partial(_tc_kernel, blk=blk, v=v, nb=nb),
        grid=(nb,),
        in_specs=[pl.BlockSpec((b, blk), lambda i: (0, i))],
        out_specs=[
            pl.BlockSpec((b, 1), lambda i: (0, 0)),
            pl.BlockSpec((b, 1), lambda i: (0, 0)),
        ],
        out_shape=[
            jax.ShapeDtypeStruct((b, 1), jnp.float32),
            jax.ShapeDtypeStruct((b, 1), jnp.int32),
        ],
        scratch_shapes=[
            pltpu.VMEM((b, 1), jnp.float32),
            pltpu.VMEM((b, 1), jnp.float32),
            pltpu.VMEM((b, 1), jnp.int32),
        ],
    )(logits)


def _sc_gather(logits_flat, actions_flat, b, v):
    info = plsc.get_sparse_core_info()
    nc = info.num_cores
    lanes = 16
    nwork = b // lanes

    @functools.partial(
        pl.kernel,
        mesh=plsc.VectorSubcoreMesh(core_axis_name="c", subcore_axis_name="s"),
        out_type=jax.ShapeDtypeStruct((b,), jnp.float32),
        scratch_types=[
            pltpu.VMEM((lanes,), jnp.int32),
            pltpu.VMEM((lanes,), jnp.int32),
            pltpu.VMEM((lanes,), jnp.float32),
            pltpu.SemaphoreType.DMA,
        ],
    )
    def gather_k(act_hbm, x_hbm, out_hbm, act_v, idx_v, vals_v, sem):
        wid = lax.axis_index("s") * nc + lax.axis_index("c")

        @pl.when(wid < nwork)
        def _():
            base = wid * lanes
            pltpu.sync_copy(act_hbm.at[pl.ds(base, lanes)], act_v)
            rows = lax.iota(jnp.int32, 16) + base
            idx_v[...] = act_v[...] + rows * jnp.int32(v)
            pltpu.async_copy(x_hbm.at[idx_v], vals_v, sem).wait()
            pltpu.sync_copy(vals_v, out_hbm.at[pl.ds(base, lanes)])

    return gather_k(actions_flat, logits_flat)


def kernel(logits, actions):
    b, v = logits.shape
    picked = _sc_gather(logits.reshape(b * v), actions.reshape(b), b, v)
    logz, mode = _tc_pass(logits, 16384)
    return (picked.reshape(b, 1) - logz, mode)

# --- scband reference (transcript-rebuilt; emitter-appended) ---
"""Pipeline reference for scband-fixed-categorical-13469017440649 (READ-ONLY COPY).

The authoritative reference and input builder live on the scoring server;
editing this copy changes nothing except your own understanding.
"""

import jax, jax.numpy as jnp
import numpy as np

B = 64
V = 1000000

def setup_inputs(seed: int = 0) -> dict:
    key = jax.random.key(seed)
    k1, k2 = jax.random.split(key)
    logits = jax.random.normal(k1, (B, V), dtype=jnp.float32)
    actions = jax.random.randint(k2, (B, 1), 0, V, dtype=jnp.int32)
    return {"logits": logits, "actions": actions}

def reference(logits, actions):
    # FixedCategorical(logits=logits)
    # log_probs(actions): Categorical.log_prob(actions.squeeze(-1)).view(B,-1).sum(-1).unsqueeze(-1)
    logp = jax.nn.log_softmax(logits, axis=-1)
    lp = jnp.take_along_axis(logp, actions, axis=-1)  # [B, 1]
    log_probs = lp.reshape(actions.shape[0], -1).sum(axis=-1, keepdims=True)  # [B, 1]
    # mode(): probs.argmax(dim=-1, keepdim=True); argmax of probs == argmax of logits
    mode = jnp.argmax(logits, axis=-1, keepdims=True)  # [B, 1] int
    return (log_probs, mode)

if __name__ == "__main__":
    import jax
    _d = setup_inputs()
    print(jax.jit(kernel)(*tuple(_d.values())))

</pallas_src>

<mosaic_0001>
#map = affine_map<(d0, d1) -> (0)>
module attributes {stable_mosaic.version = 14 : i64} {
  func.func @gather_k(%arg0: i32, %arg1: i32, %arg2: memref<64xi32, #tpu.memory_space<hbm>>, %arg3: memref<64000000xf32, #tpu.memory_space<hbm>>, %arg4: memref<64xf32, #tpu.memory_space<hbm>>, %arg5: memref<16xi32, #tpu.memory_space<vmem>>, %arg6: memref<16xi32, #tpu.memory_space<vmem>>, %arg7: memref<16xf32, #tpu.memory_space<vmem>>, %arg8: memref<!tpu.dma_semaphore, #tpu.memory_space<semaphore_mem>>) attributes {dimension_semantics = [#tpu.dimension_semantics<core_parallel>, #tpu.dimension_semantics<subcore_parallel>], iteration_bounds = array<i64: 2, 16>, scalar_prefetch = 0 : i64, scratch_operands = 4 : i64, tpu.core_type = #tpu.core_type<sc_vector_subcore>, window_params = [{transform_indices = #map}, {transform_indices = #map}, {transform_indices = #map}]} {
    %mul3A = arith.constant 2 : i32
    %mul3A_0 = arith.muli %arg1, %mul3A : i32
    %add3A = arith.addi %mul3A_0, %arg0 : i32
    %lt3A = arith.constant 4 : i32
    %lt3A_1 = arith.cmpi slt, %add3A, %lt3A : i32
    %convert_element_type3A = arith.extui %lt3A_1 : i1 to i32
    %cond3A = arith.constant 0 : i32
    %cond3A_2 = arith.cmpi ne, %convert_element_type3A, %cond3A : i32
    scf.if %cond3A_2 {
      %mul3A_3 = arith.constant 16 : i32
      %mul3A_4 = arith.muli %add3A, %mul3A_3 : i32
      "tpu.region"() ({
        %run_scoped3A = tpu.sem_alloc : memref<!tpu.dma_semaphore, #tpu.memory_space<semaphore_mem>>
        %dma_start3A_18 = tpu.memref_slice %arg2[%mul3A_4] : memref<64xi32, #tpu.memory_space<hbm>> -> memref<16xi32, #tpu.memory_space<hbm>>
        %dma_start3A_19 = tpu.memref_slice %arg2[%mul3A_4] : memref<64xi32, #tpu.memory_space<hbm>> -> memref<16xi32, #tpu.memory_space<hbm>>
        tpu.enqueue_dma source(%dma_start3A_19 : memref<16xi32, #tpu.memory_space<hbm>>) target(%arg5 : memref<16xi32, #tpu.memory_space<vmem>>) target_semaphore(%run_scoped3A : memref<!tpu.dma_semaphore, #tpu.memory_space<semaphore_mem>>)
        %dma_wait3A_20 = tpu.memref_slice %arg2[%mul3A_4] : memref<64xi32, #tpu.memory_space<hbm>> -> memref<16xi32, #tpu.memory_space<hbm>>
        %dma_wait3A_21 = tpu.memref_slice %arg2[%mul3A_4] : memref<64xi32, #tpu.memory_space<hbm>> -> memref<16xi32, #tpu.memory_space<hbm>>
        tpu.wait_dma2 semaphore(%run_scoped3A : memref<!tpu.dma_semaphore, #tpu.memory_space<semaphore_mem>>) src(%dma_wait3A_21 : memref<16xi32, #tpu.memory_space<hbm>>) dst(%arg5 : memref<16xi32, #tpu.memory_space<vmem>>)
        tpu.yield
      }) : () -> ()
      %iota3A = tpu.iota {dimensions = array<i32: 0>} : vector<16xi32>
      %add3A_5 = vector.broadcast %mul3A_4 : i32 to vector<16xi32>
      %add3A_6 = arith.addi %iota3A, %add3A_5 : vector<16xi32>
      %get3A = arith.constant 0 : index
      %get3A_7 = tpu.vector_load %arg5[%get3A] {strides = array<i32>} : memref<16xi32, #tpu.memory_space<vmem>>, vector<16xi32>,
      %get3A_8 = vector.shape_cast %get3A_7 : vector<16xi32> to vector<16xi32>
      %mul3A_9 = arith.constant 1000000 : i32
      %mul3A_10 = vector.broadcast %mul3A_9 : i32 to vector<16xi32>
      %mul3A_11 = arith.muli %add3A_6, %mul3A_10 : vector<16xi32>
      %add3A_12 = arith.addi %get3A_8, %mul3A_11 : vector<16xi32>
      %swap3A = arith.constant 0 : index
      %swap3A_13 = tpu.vector_load %arg6[%swap3A] {strides = array<i32>} : memref<16xi32, #tpu.memory_space<vmem>>, vector<16xi32>,
      %swap3A_14 = vector.shape_cast %swap3A_13 : vector<16xi32> to vector<16xi32>
      %swap3A_15 = vector.shape_cast %add3A_12 : vector<16xi32> to vector<16xi32>
      tpu.vector_store %arg6[%swap3A], %swap3A_15 {strides = array<i32>} : memref<16xi32, #tpu.memory_space<vmem>>, vector<16xi32>,
      %dma_start3A = arith.constant 0 : i32
      %dma_start3A_16 = tpu.memref_slice %arg3[%dma_start3A] : memref<64000000xf32, #tpu.memory_space<hbm>> -> memref<64000000xf32, #tpu.memory_space<hbm>>
      tpu.enqueue_indirect_dma source(%dma_start3A_16 : memref<64000000xf32, #tpu.memory_space<hbm>>) target(%arg7 : memref<16xf32, #tpu.memory_space<vmem>>) offsets(%arg6 : memref<16xi32, #tpu.memory_space<vmem>>) semaphore(%arg8 : memref<!tpu.dma_semaphore, #tpu.memory_space<semaphore_mem>>)
      %dma_wait3A = arith.constant 0 : i32
      %dma_wait3A_17 = tpu.memref_slice %arg3[%dma_wait3A] : memref<64000000xf32, #tpu.memory_space<hbm>> -> memref<64000000xf32, #tpu.memory_space<hbm>>
      tpu.wait_indirect_dma semaphore(%arg8 : memref<!tpu.dma_semaphore, #tpu.memory_space<semaphore_mem>>) src(%dma_wait3A_17 : memref<64000000xf32, #tpu.memory_space<hbm>>) dst(%arg7 : memref<16xf32, #tpu.memory_space<vmem>>)
      "tpu.region"() ({
        %run_scoped3A = tpu.sem_alloc : memref<!tpu.dma_semaphore, #tpu.memory_space<semaphore_mem>>
        %dma_start3A_18 = tpu.memref_slice %arg4[%mul3A_4] : memref<64xf32, #tpu.memory_space<hbm>> -> memref<16xf32, #tpu.memory_space<hbm>>
        %dma_start3A_19 = tpu.memref_slice %arg4[%mul3A_4] : memref<64xf32, #tpu.memory_space<hbm>> -> memref<16xf32, #tpu.memory_space<hbm>>
        tpu.enqueue_dma source(%arg7 : memref<16xf32, #tpu.memory_space<vmem>>) target(%dma_start3A_19 : memref<16xf32, #tpu.memory_space<hbm>>) target_semaphore(%run_scoped3A : memref<!tpu.dma_semaphore, #tpu.memory_space<semaphore_mem>>)
        %dma_wait3A_20 = tpu.memref_slice %arg4[%mul3A_4] : memref<64xf32, #tpu.memory_space<hbm>> -> memref<16xf32, #tpu.memory_space<hbm>>
        %dma_wait3A_21 = tpu.memref_slice %arg4[%mul3A_4] : memref<64xf32, #tpu.memory_space<hbm>> -> memref<16xf32, #tpu.memory_space<hbm>>
        tpu.wait_dma2 semaphore(%run_scoped3A : memref<!tpu.dma_semaphore, #tpu.memory_space<semaphore_mem>>) src(%arg7 : memref<16xf32, #tpu.memory_space<vmem>>) dst(%dma_wait3A_21 : memref<16xf32, #tpu.memory_space<hbm>>)
        tpu.yield
      }) : () -> ()
    } else {
    }
    return
  }
}

module attributes {stable_mosaic.version = 14 : i64} {
  func.func @_tc_kernel(%arg0: i32, %arg1: memref<64x16384xf32, #tpu.memory_space<vmem>>, %arg2: memref<64x1xf32, #tpu.memory_space<vmem>>, %arg3: memref<64x1xi32, #tpu.memory_space<vmem>>, %arg4: memref<64x1xf32, #tpu.memory_space<vmem>>, %arg5: memref<64x1xf32, #tpu.memory_space<vmem>>, %arg6: memref<64x1xi32, #tpu.memory_space<vmem>>) attributes {dimension_semantics = [#tpu.dimension_semantics<arbitrary>], iteration_bounds = array<i64: 62>, scalar_prefetch = 0 : i64, scratch_operands = 3 : i64, tpu.core_type = #tpu.core_type<tc>, window_params = [{transform_indices = @transform_0, window_bounds = array<i64: 64, 16384>}, {pipeline_mode = #tpu.pipeline_mode<synchronous>, transform_indices = @transform_1, window_bounds = array<i64: 64, 1>}, {pipeline_mode = #tpu.pipeline_mode<synchronous>, transform_indices = @transform_2, window_bounds = array<i64: 64, 1>}]} {
    %eq3A = arith.constant 0 : i32
    %eq3A_0 = arith.cmpi eq, %arg0, %eq3A : i32
    %convert_element_type3A = arith.extui %eq3A_0 : i1 to i32
    %cond3A = arith.constant 0 : i32
    %cond3A_1 = arith.cmpi ne, %convert_element_type3A, %cond3A : i32
    scf.if %cond3A_1 {
      %broadcast_in_dim3A = arith.constant 0xFF800000 : f32
      %broadcast_in_dim3A_11 = vector.broadcast %broadcast_in_dim3A : f32 to vector<64x1xf32>
      %swap3A = arith.constant 0 : index
      %swap3A_12 = arith.constant 0 : index
      %swap3A_13 = vector.load %arg4[%swap3A, %swap3A_12] : memref<64x1xf32, #tpu.memory_space<vmem>>, vector<64x1xf32>
      tpu.vector_store %arg4[%swap3A, %swap3A_12], %broadcast_in_dim3A_11 {strides = array<i32>} : memref<64x1xf32, #tpu.memory_space<vmem>>, vector<64x1xf32>,
      %broadcast_in_dim3A_14 = arith.constant 0.000000e+00 : f32
      %broadcast_in_dim3A_15 = vector.broadcast %broadcast_in_dim3A_14 : f32 to vector<64x1xf32>
      %swap3A_16 = arith.constant 0 : index
      %swap3A_17 = arith.constant 0 : index
      %swap3A_18 = vector.load %arg5[%swap3A_16, %swap3A_17] : memref<64x1xf32, #tpu.memory_space<vmem>>, vector<64x1xf32>
      tpu.vector_store %arg5[%swap3A_16, %swap3A_17], %broadcast_in_dim3A_15 {strides = array<i32>} : memref<64x1xf32, #tpu.memory_space<vmem>>, vector<64x1xf32>,
      %broadcast_in_dim3A_19 = arith.constant 0 : i32
      %broadcast_in_dim3A_20 = vector.broadcast %broadcast_in_dim3A_19 : i32 to vector<64x1xi32>
      %swap3A_21 = arith.constant 0 : index
      %swap3A_22 = arith.constant 0 : index
      %swap3A_23 = vector.load %arg6[%swap3A_21, %swap3A_22] : memref<64x1xi32, #tpu.memory_space<vmem>>, vector<64x1xi32>
      tpu.vector_store %arg6[%swap3A_21, %swap3A_22], %broadcast_in_dim3A_20 {strides = array<i32>} : memref<64x1xi32, #tpu.memory_space<vmem>>, vector<64x1xi32>,
    } else {
    }
    %lt3A = arith.constant 61 : i32
    %lt3A_2 = arith.cmpi slt, %arg0, %lt3A : i32
    %convert_element_type3A_3 = arith.extui %lt3A_2 : i1 to i32
    %cond3A_4 = arith.constant 0 : i32
    %cond3A_5 = arith.cmpi ne, %convert_element_type3A_3, %cond3A_4 : i32
    scf.if %cond3A_5 {
      %get3A = arith.constant 0 : index
      %get3A_11 = arith.constant 0 : index
      %get3A_12 = vector.load %arg1[%get3A, %get3A_11] : memref<64x16384xf32, #tpu.memory_space<vmem>>, vector<64x16384xf32>
      %mul3A = arith.constant 16384 : i32
      %mul3A_13 = arith.muli %arg0, %mul3A : i32
      %iota3A = tpu.iota {dimensions = array<i32: 1>} : vector<64x16384xi32>
      %add3A = vector.broadcast %mul3A_13 : i32 to vector<64x16384xi32>
      %add3A_14 = arith.addi %add3A, %iota3A : vector<64x16384xi32>
      %reduce_max3A = arith.constant dense<0xFF800000> : vector<64xf32>
      %reduce_max3A_15 = vector.multi_reduction <maximumf>, %get3A_12, %reduce_max3A [1] : vector<64x16384xf32> to vector<64xf32>
      %broadcast_in_dim3A = vector.shape_cast %reduce_max3A_15 : vector<64xf32> to vector<64x1xf32>
      %eq3A_16 = vector.broadcast %broadcast_in_dim3A : vector<64x1xf32> to vector<64x16384xf32>
      %eq3A_17 = arith.cmpf oeq, %get3A_12, %eq3A_16 : vector<64x16384xf32>
      %jit3A = arith.constant 1000000 : i32
      %broadcast_in_dim3A_18 = vector.broadcast %jit3A : i32 to vector<64x16384xi32>
      %select_n3A = arith.select %eq3A_17, %add3A_14, %broadcast_in_dim3A_18 : vector<64x16384xi1>, vector<64x16384xi32>
      %reduce_min3A = arith.constant dense<2147483647> : vector<64xi32>
      %reduce_min3A_19 = vector.multi_reduction <minsi>, %select_n3A, %reduce_min3A [1] : vector<64x16384xi32> to vector<64xi32>
      %broadcast_in_dim3A_20 = vector.shape_cast %reduce_min3A_19 : vector<64xi32> to vector<64x1xi32>
      %get3A_21 = arith.constant 0 : index
      %get3A_22 = arith.constant 0 : index
      %get3A_23 = vector.load %arg5[%get3A_21, %get3A_22] : memref<64x1xf32, #tpu.memory_space<vmem>>, vector<64x1xf32>
      %exp3A = math.exp %get3A_12 : vector<64x16384xf32>
      %reduce_sum3A = arith.constant dense<0.000000e+00> : vector<64xf32>
      %reduce_sum3A_24 = vector.multi_reduction <add>, %exp3A, %reduce_sum3A [1] : vector<64x16384xf32> to vector<64xf32>
      %broadcast_in_dim3A_25 = vector.shape_cast %reduce_sum3A_24 : vector<64xf32> to vector<64x1xf32>
      %add3A_26 = arith.addf %get3A_23, %broadcast_in_dim3A_25 : vector<64x1xf32>
      %swap3A = arith.constant 0 : index
      %swap3A_27 = arith.constant 0 : index
      %swap3A_28 = vector.load %arg5[%swap3A, %swap3A_27] : memref<64x1xf32, #tpu.memory_space<vmem>>, vector<64x1xf32>
      tpu.vector_store %arg5[%swap3A, %swap3A_27], %add3A_26 {strides = array<i32>} : memref<64x1xf32, #tpu.memory_space<vmem>>, vector<64x1xf32>,
      %get3A_29 = arith.constant 0 : index
      %get3A_30 = arith.constant 0 : index
      %get3A_31 = vector.load %arg4[%get3A_29, %get3A_30] : memref<64x1xf32, #tpu.memory_space<vmem>>, vector<64x1xf32>
      %gt3A = arith.cmpf ogt, %broadcast_in_dim3A, %get3A_31 : vector<64x1xf32>
      %get3A_32 = arith.constant 0 : index
      %get3A_33 = arith.constant 0 : index
      %get3A_34 = vector.load %arg6[%get3A_32, %get3A_33] : memref<64x1xi32, #tpu.memory_space<vmem>>, vector<64x1xi32>
      %select_n3A_35 = arith.select %gt3A, %broadcast_in_dim3A_20, %get3A_34 : vector<64x1xi1>, vector<64x1xi32>
      %swap3A_36 = arith.constant 0 : index
      %swap3A_37 = arith.constant 0 : index
      %swap3A_38 = vector.load %arg6[%swap3A_36, %swap3A_37] : memref<64x1xi32, #tpu.memory_space<vmem>>, vector<64x1xi32>
      tpu.vector_store %arg6[%swap3A_36, %swap3A_37], %select_n3A_35 {strides = array<i32>} : memref<64x1xi32, #tpu.memory_space<vmem>>, vector<64x1xi32>,
      %max3A = arith.maximumf %get3A_31, %broadcast_in_dim3A : vector<64x1xf32>
      %swap3A_39 = arith.constant 0 : index
      %swap3A_40 = arith.constant 0 : index
      %swap3A_41 = vector.load %arg4[%swap3A_39, %swap3A_40] : memref<64x1xf32, #tpu.memory_space<vmem>>, vector<64x1xf32>
      tpu.vector_store %arg4[%swap3A_39, %swap3A_40], %max3A {strides = array<i32>} : memref<64x1xf32, #tpu.memory_space<vmem>>, vector<64x1xf32>,
    } else {
    }
    %eq3A_6 = arith.constant 61 : i32
    %eq3A_7 = arith.cmpi eq, %arg0, %eq3A_6 : i32
    %convert_element_type3A_8 = arith.extui %eq3A_7 : i1 to i32
    %cond3A_9 = arith.constant 0 : i32
    %cond3A_10 = arith.cmpi ne, %convert_element_type3A_8, %cond3A_9 : i32
    scf.if %cond3A_10 {
      %iota3A = tpu.iota {dimensions = array<i32: 1>} : vector<64x16384xi32>
      %lt3A_11 = arith.constant 576 : i32
      %lt3A_12 = vector.broadcast %lt3A_11 : i32 to vector<64x16384xi32>
      %lt3A_13 = arith.cmpi slt, %iota3A, %lt3A_12 : vector<64x16384xi32>
      %get3A = arith.constant 0 : index
      %get3A_14 = arith.constant 0 : index
      %get3A_15 = vector.load %arg1[%get3A, %get3A_14] : memref<64x16384xf32, #tpu.memory_space<vmem>>, vector<64x16384xf32>
      %jit3A = arith.constant 0xFF800000 : f32
      %broadcast_in_dim3A = vector.broadcast %jit3A : f32 to vector<64x16384xf32>
      %select_n3A = arith.select %lt3A_13, %get3A_15, %broadcast_in_dim3A : vector<64x16384xi1>, vector<64x16384xf32>
      %mul3A = arith.constant 16384 : i32
      %mul3A_16 = arith.muli %arg0, %mul3A : i32
      %iota3A_17 = tpu.iota {dimensions = array<i32: 1>} : vector<64x16384xi32>
      %add3A = vector.broadcast %mul3A_16 : i32 to vector<64x16384xi32>
      %add3A_18 = arith.addi %add3A, %iota3A_17 : vector<64x16384xi32>
      %reduce_max3A = arith.constant dense<0xFF800000> : vector<64xf32>
      %reduce_max3A_19 = vector.multi_reduction <maximumf>, %select_n3A, %reduce_max3A [1] : vector<64x16384xf32> to vector<64xf32>
      %broadcast_in_dim3A_20 = vector.shape_cast %reduce_max3A_19 : vector<64xf32> to vector<64x1xf32>
      %eq3A_21 = vector.broadcast %broadcast_in_dim3A_20 : vector<64x1xf32> to vector<64x16384xf32>
      %eq3A_22 = arith.cmpf oeq, %select_n3A, %eq3A_21 : vector<64x16384xf32>
      %jit3A_23 = arith.constant 1000000 : i32
      %broadcast_in_dim3A_24 = vector.broadcast %jit3A_23 : i32 to vector<64x16384xi32>
      %select_n3A_25 = arith.select %eq3A_22, %add3A_18, %broadcast_in_dim3A_24 : vector<64x16384xi1>, vector<64x16384xi32>
      %reduce_min3A = arith.constant dense<2147483647> : vector<64xi32>
      %reduce_min3A_26 = vector.multi_reduction <minsi>, %select_n3A_25, %reduce_min3A [1] : vector<64x16384xi32> to vector<64xi32>
      %broadcast_in_dim3A_27 = vector.shape_cast %reduce_min3A_26 : vector<64xi32> to vector<64x1xi32>
      %get3A_28 = arith.constant 0 : index
      %get3A_29 = arith.constant 0 : index
      %get3A_30 = vector.load %arg5[%get3A_28, %get3A_29] : memref<64x1xf32, #tpu.memory_space<vmem>>, vector<64x1xf32>
      %exp3A = math.exp %select_n3A : vector<64x16384xf32>
      %reduce_sum3A = arith.constant dense<0.000000e+00> : vector<64xf32>
      %reduce_sum3A_31 = vector.multi_reduction <add>, %exp3A, %reduce_sum3A [1] : vector<64x16384xf32> to vector<64xf32>
      %broadcast_in_dim3A_32 = vector.shape_cast %reduce_sum3A_31 : vector<64xf32> to vector<64x1xf32>
      %add3A_33 = arith.addf %get3A_30, %broadcast_in_dim3A_32 : vector<64x1xf32>
      %swap3A = arith.constant 0 : index
      %swap3A_34 = arith.constant 0 : index
      %swap3A_35 = vector.load %arg5[%swap3A, %swap3A_34] : memref<64x1xf32, #tpu.memory_space<vmem>>, vector<64x1xf32>
      tpu.vector_store %arg5[%swap3A, %swap3A_34], %add3A_33 {strides = array<i32>} : memref<64x1xf32, #tpu.memory_space<vmem>>, vector<64x1xf32>,
      %get3A_36 = arith.constant 0 : index
      %get3A_37 = arith.constant 0 : index
      %get3A_38 = vector.load %arg4[%get3A_36, %get3A_37] : memref<64x1xf32, #tpu.memory_space<vmem>>, vector<64x1xf32>
      %gt3A = arith.cmpf ogt, %broadcast_in_dim3A_20, %get3A_38 : vector<64x1xf32>
      %get3A_39 = arith.constant 0 : index
      %get3A_40 = arith.constant 0 : index
      %get3A_41 = vector.load %arg6[%get3A_39, %get3A_40] : memref<64x1xi32, #tpu.memory_space<vmem>>, vector<64x1xi32>
      %select_n3A_42 = arith.select %gt3A, %broadcast_in_dim3A_27, %get3A_41 : vector<64x1xi1>, vector<64x1xi32>
      %swap3A_43 = arith.constant 0 : index
      %swap3A_44 = arith.constant 0 : index
      %swap3A_45 = vector.load %arg6[%swap3A_43, %swap3A_44] : memref<64x1xi32, #tpu.memory_space<vmem>>, vector<64x1xi32>
      tpu.vector_store %arg6[%swap3A_43, %swap3A_44], %select_n3A_42 {strides = array<i32>} : memref<64x1xi32, #tpu.memory_space<vmem>>, vector<64x1xi32>,
      %max3A = arith.maximumf %get3A_38, %broadcast_in_dim3A_20 : vector<64x1xf32>
      %swap3A_46 = arith.constant 0 : index
      %swap3A_47 = arith.constant 0 : index
      %swap3A_48 = vector.load %arg4[%swap3A_46, %swap3A_47] : memref<64x1xf32, #tpu.memory_space<vmem>>, vector<64x1xf32>
      tpu.vector_store %arg4[%swap3A_46, %swap3A_47], %max3A {strides = array<i32>} : memref<64x1xf32, #tpu.memory_space<vmem>>, vector<64x1xf32>,
      %get3A_49 = arith.constant 0 : index
      %get3A_50 = arith.constant 0 : index
      %get3A_51 = vector.load %arg5[%get3A_49, %get3A_50] : memref<64x1xf32, #tpu.memory_space<vmem>>, vector<64x1xf32>
      %log3A = math.log %get3A_51 : vector<64x1xf32>
      %swap3A_52 = arith.constant 0 : index
      %swap3A_53 = arith.constant 0 : index
      %swap3A_54 = vector.load %arg2[%swap3A_52, %swap3A_53] : memref<64x1xf32, #tpu.memory_space<vmem>>, vector<64x1xf32>
      tpu.vector_store %arg2[%swap3A_52, %swap3A_53], %log3A {strides = array<i32>} : memref<64x1xf32, #tpu.memory_space<vmem>>, vector<64x1xf32>,
      %get3A_55 = arith.constant 0 : index
      %get3A_56 = arith.constant 0 : index
      %get3A_57 = vector.load %arg6[%get3A_55, %get3A_56] : memref<64x1xi32, #tpu.memory_space<vmem>>, vector<64x1xi32>
      %swap3A_58 = arith.constant 0 : index
      %swap3A_59 = arith.constant 0 : index
      %swap3A_60 = vector.load %arg3[%swap3A_58, %swap3A_59] : memref<64x1xi32, #tpu.memory_space<vmem>>, vector<64x1xi32>
      tpu.vector_store %arg3[%swap3A_58, %swap3A_59], %get3A_57 {strides = array<i32>} : memref<64x1xi32, #tpu.memory_space<vmem>>, vector<64x1xi32>,
    } else {
    }
    return
  }
  func.func @transform_0(%arg0: i32) -> (i32, i32) {
    %c0_i32 = arith.constant 0 : i32
    %c0_i32_0 = arith.constant 0 : i32
    return %c0_i32, %arg0 : i32, i32
  }
  func.func @transform_1(%arg0: i32) -> (i32, i32) {
    %c0_i32 = arith.constant 0 : i32
    %c0_i32_0 = arith.constant 0 : i32
    %c0_i32_1 = arith.constant 0 : i32
    return %c0_i32, %c0_i32_0 : i32, i32
  }
  func.func @transform_2(%arg0: i32) -> (i32, i32) {
    %c0_i32 = arith.constant 0 : i32
    %c0_i32_0 = arith.constant 0 : i32
    %c0_i32_1 = arith.constant 0 : i32
    return %c0_i32, %c0_i32_0 : i32, i32
  }
}

</mosaic_0001>

<sc_bundles>
// kernel: kernel.4.cloned.1.call-start
scs
__scs_entry_jumppad:
0x0: {  	(pc) =	sbr.rel $0x88, $3  }
0x1: {  	(tag) =	ssettag $0x0;
	lr =	simm.s32 $0x1  }
0x2: {  	[smem:$0x3F9F] =	sst lr;
	_ =	strace $0xD0000000  }
0x3: {  	_ = 	snop  }
0x4: {  	_ = 	snop  }
0x5: {  	_ = 	snop  }
0x6: {  	_ = 	snop  }
0x7: {  	_ = 	snop  }
__scs_overlays_trampoline_lowered:
0x8: {  	[smem:$0x3FAE] =	sst s0  }
0x9: {  	[smem:$0x3FAF] =	sst s1  }
0xa: {  	[smem:$0x3FB0] =	sst s2  }
0xb: {  	[smem:$0x3FB1] =	sst s3  }
0xc: {  	[smem:$0x3FB2] =	sst s4  }
0xd: {  	[smem:$0x3FB3] =	sst s5  }
0xe: {  	[smem:$0x3FB4] =	sst s6  }
0xf: {  	[smem:$0x3FB5] =	sst s7  }
0x10: {  	[smem:$0x3FB6] =	sst s8  }
0x11: {  	[smem:$0x3FB7] =	sst s9;
	s0 =	simm.s32 @!p0 $0x0  }
0x12: {  	s1 =	sld [smem:$0x3F9D];
	s0 =	simm.s32 @p0 $0x1  }
0x13: {  	[smem:$0x3FB8] =	sst s0;
	s0 =	simm.s32 @!p1 $0x0  }
0x14: {  	s2 =	sld [smem:$0x3F9C];
	s0 =	simm.s32 @p1 $0x1  }
0x15: {  	[smem:$0x3FB9] =	sst s0;
	s0 =	simm.s32 @!p2 $0x0  }
0x16: {  	s3 =	sld [smem:$0x3FDB];
	s0 =	simm.s32 @p2 $0x1  }
0x17: {  	s4 =	simm.s32 $0x1BF5;
	[smem:$0x3FBB] =	sst s0  }
0x18: {  	s0 =	sld [smem:$0x3F9E];
	_ =	swait.ge [sflag:s4], $0x0  }
0x19: {  	s7 =	sld [smem:$0x3F9F]  }
0x1a: {  	s8 =	sadd.s32 $0xFFFFE003, lr  }
0x1b: {  	s9 =	sadd.s32 $0xFFFFFEF7, lr;
	s5 =	simm.s32 $0xFFFFFFFF;
	p2 =	slt.u32 s8, $0xFFFFF086  }
0x1c: {  	p1 =	slt.u32 s9, $0xF7A;
	s5 =	simm.s32 @!p2 $0x0  }
0x1d: {  	s5 =	simm.s32 @p1 $0x1;
	p0 =	seq.s32 s7, s2  }
0x1e: {  	s7 =	smul.u32 @!p0 $0xF7A, s2;
	p2 =	seq.s32 @!p0 s5, $0x0  }
0x1f: {  	s9 =	smul.u32 $0xF7A, s1;
	s8 =	simm.s32 @!p0 $0x1BF5;
	p2 =	por !p2, p0  }
0x20: {  	[sflag:s8] =	ssyncset.s32 @!p0 $0xFFFFF086;
	s6 =	sadd.s32 @!p0 s3, s7;
	s7 =	simm.s32 @!p0 $0x108  }
0x21: {  	s3 =	sadd.s32 s3, s9;
	s6 =	sadd.s32 @!p0 $0x88, s6;
	s7 =	simm.s32 @p2 $0x1082  }
0x22: {  	[simem:s7], [sflag:s8] =	dma.local @!p0 [hbm:s6], $0xF7A  }
0x23: {  	s9 =	sor.u32 $0xD0000000, s2;
	s6 =	simm.s32 $0x108;
	_ =	swait.ge @!p0 [sflag:s8], $0x0  }
0x24: {  	s3 =	sadd.s32 $0x88, s3;
	s6 =	simm.s32 @!p1 $0x1082;
	[sflag:s4] =	ssyncset.s32 $0xFFFFF086  }
0x25: {  	[simem:s6], [sflag:s4] =	dma.local [hbm:s3], $0xF7A  }
0x26: {  	[smem:$0x3F9F] =	sst s1;
	(tag) =	ssettag s2;
	_ =	strace s9  }
0x27: {  	s1 =	sld [smem:$0x3FAF]  }
0x28: {  	s2 =	sld [smem:$0x3FB0]  }
0x29: {  	s4 =	sld [smem:$0x3FB2]  }
0x2a: {  	p0 =	seq.s32 s5, $0x0;
	s5 =	sld [smem:$0x3FB3]  }
0x2b: {  	s6 =	sld [smem:$0x3FB4]  }
0x2c: {  	s7 =	sld [smem:$0x3FB5]  }
0x2d: {  	s3 =	simm.s32 $0x108;
	s8 =	sld [smem:$0x3FB6]  }
0x2e: {  	s3 =	simm.s32 @!p0 $0x1082;
	s9 =	sld [smem:$0x3FB7]  }
0x2f: {  	lr =	sadd.s32 s0, s3;
	s0 =	sld [smem:$0x3FAE]  }
0x30: {  	s3 =	sld [smem:$0x3FB1]  }
0x31: {  	[smem:$0x3FBA] =	sst s10  }
0x32: {  	s10 =	sld [smem:$0x3FB8];
	_ =	sdelay $0x3  }
0x33: {  	p0 =	seq.s32 s10, $0x1;
	s10 =	sld [smem:$0x3FBA];
	_ =	sdelay $0x3  }
0x34: {  	[smem:$0x3FBA] =	sst s10  }
0x35: {  	s10 =	sld [smem:$0x3FB9];
	_ =	sdelay $0x3  }
0x36: {  	p1 =	seq.s32 s10, $0x1;
	s10 =	sld [smem:$0x3FBA];
	_ =	sdelay $0x3  }
0x37: {  	[smem:$0x3FBA] =	sst s10  }
0x38: {  	s10 =	sld [smem:$0x3FBB]  }
0x39: {  	_ = 	snop;
	(pc) =	sbr.ind lr, $3  }
0x3a: {  	_ = 	snop  }
0x3b: {  	_ = 	snop  }
0x3c: {  	p2 =	seq.s32 s10, $0x1;
	s10 =	sld [smem:$0x3FBA]  }
0x3d: {  	_ =	shalt  }
0x3e: {  	_ =	shalt  }
0x3f: {  	_ =	shalt  }
0x40: {  	_ =	shalt  }
0x41: {  	_ =	shalt  }
0x42: {  	_ =	shalt  }
0x43: {  	_ =	shalt  }
0x44: {  	_ =	shalt  }
0x45: {  	_ =	shalt  }
0x46: {  	_ =	shalt  }
0x47: {  	_ =	shalt  }
0x48: {  	_ =	shalt  }
0x49: {  	_ =	shalt  }
0x4a: {  	_ =	shalt  }
0x4b: {  	_ =	shalt  }
0x4c: {  	_ =	shalt  }
0x4d: {  	_ =	shalt  }
0x4e: {  	_ =	shalt  }
0x4f: {  	_ =	shalt  }
0x50: {  	_ =	shalt  }
0x51: {  	_ =	shalt  }
0x52: {  	_ =	shalt  }
0x53: {  	_ =	shalt  }
0x54: {  	_ =	shalt  }
0x55: {  	_ =	shalt  }
0x56: {  	_ =	shalt  }
0x57: {  	_ =	shalt  }
0x58: {  	_ =	shalt  }
0x59: {  	_ =	shalt  }
0x5a: {  	_ =	shalt  }
0x5b: {  	_ =	shalt  }
0x5c: {  	_ =	shalt  }
0x5d: {  	_ =	shalt  }
0x5e: {  	_ =	shalt  }
0x5f: {  	_ =	shalt  }
0x60: {  	_ =	shalt  }
0x61: {  	_ =	shalt  }
0x62: {  	_ =	shalt  }
0x63: {  	_ =	shalt  }
0x64: {  	_ =	shalt  }
0x65: {  	_ =	shalt  }
0x66: {  	_ =	shalt  }
0x67: {  	_ =	shalt  }
0x68: {  	_ =	shalt  }
0x69: {  	_ =	shalt  }
0x6a: {  	_ =	shalt  }
0x6b: {  	_ =	shalt  }
0x6c: {  	_ =	shalt  }
0x6d: {  	_ =	shalt  }
0x6e: {  	_ =	shalt  }
0x6f: {  	_ =	shalt  }
0x70: {  	_ =	shalt  }
0x71: {  	_ =	shalt  }
0x72: {  	_ =	shalt  }
0x73: {  	_ =	shalt  }
0x74: {  	_ =	shalt  }
0x75: {  	_ =	shalt  }
0x76: {  	_ =	shalt  }
0x77: {  	_ =	shalt  }
0x78: {  	_ =	shalt  }
0x79: {  	_ =	shalt  }
0x7a: {  	_ =	shalt  }
0x7b: {  	_ =	shalt  }
0x7c: {  	_ =	shalt  }
0x7d: {  	_ =	shalt  }
0x7e: {  	_ =	shalt  }
0x7f: {  	_ =	shalt  }
0x80: {  	_ =	shalt  }
0x81: {  	_ =	shalt  }
0x82: {  	_ =	shalt  }
0x83: {  	_ =	shalt  }
0x84: {  	_ =	shalt  }
0x85: {  	_ =	shalt  }
0x86: {  	_ =	shalt  }
0x87: {  	_ =	shalt  }
.Lfunc_end0:
.L_simem_size_0:
called_computation_lowered:
.L_overlay_start_0:
0x88: {  	s2 =	sld [smem:$0x3FD9]  }
0x89: {  	s3 =	sld [smem:$0x3FFE];
	_ =	sdelay $0x1  }
0x8a: {  	s1 =	srdreg.scid  }
0x8b: {  	s0 =	sand.u32 $0x1, s1  }
0x8c: {  	s14 =	sshll.u32 s0, $0xA;
	s2 =	sadd.s32 s3, s2  }
0x8d: {  	s2 =	sadd.s32 s2, s14  }
0x8e: {  	[smem:$0x3FC6] =	sst s2  }
0x8f: {  	_ = 	snop  }
0x90: {  	s2 =	sld [smem:$0x3FD0];
	_ =	sdelay $0x2  }
0x91: {  	s4 =	simm.s32 $0xA;
	s5 =	simm.s32 $0x10;
	s15 =	sld [smem:$0x3FC8]  }
0x92: {  	[smem:s5], [sflag:s4] =	dma.local [hbm:s2], $0x1  }
0x93: {  	_ =	swait.eq [sflag:s4], $0x1  }
0x94: {  	[sflag:s4] =	ssyncset.done $0x0  }
0x95: {  	[sflag:s4] =	ssyncadd.s32 $0xFFFFFFFF  }
0x96: {  	s16 =	sld [smem:$0x10];
	(tm) =	ssettm $0x1  }
0x97: {  	s17 =	sld [smem:$0x3FFB];
	_ =	sdelay $0x3  }
0x98: {  	_ =	strace s17  }
0x99: {  	s4 =	sld [smem:$0x3FFC];
	_ =	sdelay $0x3  }
0x9a: {  	_ =	strace s4  }
0x9b: {  	s4 =	sld [smem:$0x3FFD];
	_ =	sdelay $0x3  }
0x9c: {  	_ =	strace s4  }
0x9d: {  	_ =	strace $0x8FFFFFFF  }
0x9e: {  	s18 =	sld [smem:$0x3FDB];
	_ =	sdelay $0x1  }
0x9f: {  	s19 =	simm.s32 $_scs_section_size  }
0xa0: {  	s6 =	simm.s32 $_size__tile_overlayer_lowered;
	s7 =	simm.s32 $_tile_overlayer_lowered  }
0xa1: {  	s22 =	simm.s32 $0x1BFF;
	s21 =	sshll.u32 s7, $0x1;
	s4 =	sadd.s32 s19, s18  }
0xa2: {  	s8 =	simm.s32 $0x0;
	s20 =	sshll.u32 s6, $0x1;
	s6 =	sadd.s32 s21, s4  }
0xa3: {  	[timem:s8], [sflag:s22] =	dma.local [hbm:s6], s20  }
0xa4: {  	_ =	swait.ge [sflag:s22], s20  }
0xa5: {  	s5 =	ssub.s32 $0x0, s20;
	[sflag:s22] =	ssyncset.done $0x0  }
0xa6: {  	[sflag:s22] =	ssyncadd.s32 s5;
	_ =	sdelay $0x1  }
0xa7: {  	s23 =	simm.s32 $0x1B8B  }
0xa8: {  	_ =	swait.ge [sflag:s23], $0x1  }
0xa9: {  	[sflag:s23] =	ssyncset.done $0x0  }
0xaa: {  	s25 =	simm.s32 $0x1B8E;
	s24 =	sld [smem:$0x3FFE];
	[sflag:s23] =	ssyncadd.s32 $0xFFFFFFFF  }
0xab: {  	s26 =	simm.s32 $execute0_lowered;
	[smem:$0x3FD2] =	sst s25  }
0xac: {  	s6 =	sshll.u32 s26, $0x1;
	_ =	strace $0x80000046;
	[dreg:$0x1] =	wrdreg $0xFFFFFFFF  }
0xad: {  	s28 =	simm.s32 $_size_execute0_lowered;
	s4 =	sadd.s32 s4, s6;
	[dreg:$0x0] =	wrdreg $0x0  }
0xae: {  	s6 =	sshll.u32 s28, $0x1;
	[dreg:$0x2] =	wrdreg s4  }
0xaf: {  	[dreg:$0x3] =	wrdreg s6  }
0xb0: {  	[dreg:$0x4] =	wrdreg $0xC0  }
0xb1: {  	_ =	task [dreg:s8], $0x5FFFF  }
0xb2: {  	[dreg:$0x1] =	wrdreg $0xFFFFFFFF  }
0xb3: {  	[dreg:$0x0] =	wrdreg $0x60  }
0xb4: {  	[dreg:$0x2] =	wrdreg s15  }
0xb5: {  	[dreg:$0x3] =	wrdreg s24  }
0xb6: {  	[dreg:$0x4] =	wrdreg s16  }
0xb7: {  	[dreg:$0x5] =	wrdreg $0x9  }
0xb8: {  	_ =	task.clear_ibuf [dreg:s8], $0x6FFFF;
	_ =	strace $0x90000046  }
0xb9: {  	s29 =	simm.s32 $0x9;
	_ =	strace $0x80000048  }
0xba: {  	_ =	swait.ge [sflag:s29], $0x1  }
0xbb: {  	[sflag:s29] =	ssyncadd.s32 $0xFFFFFFFF  }
0xbc: {  	_ =	strace $0x90000048  }
0xbd: {  	_ =	sfence  }
0xbe: {  	s30 =	sld [smem:$0x0];
	_ =	sdelay $0x2  }
0xbf: {  	s31 =	sshll.u32 s1, $0xD;
	s1 =	sshrl.u32 s1, $0x2  }
0xc0: {  	s3 =	sand.u32 $0x4000, s31;
	s1 =	sadd.s32 s1, s30  }
0xc1: {  	s0 =	sor.u32 s3, s0;
	s1 =	sshll.u32 s1, $0x11  }
0xc2: {  	s0 =	sor.u32 s1, s0  }
0xc3: {  	s0 =	sadd.s32 $0x8F2B, s0  }
0xc4: {  	[sflag:s0] =	ssyncadd.remote.s32 $0x1  }
0xc5: {  	_ =	sfence.sel $0xFFFF  }
0xc6: {  	[dreg:$0x0] =	wrdreg $0xFFFFFFFF;
	(pc) =	sbr.abs _section_cstart, $3  }
0xc7: {  	[dreg:$0x1] =	wrdreg $0xFFFFFFFF  }
0xc8: {  	_ =	task.clear_ibuf [dreg:s8], $0x2FFFF;
	_ =	strace $0x9FFFFFFF  }
0xc9: {  	(tm) =	ssettm $0x7FFFFFFF  }
tec
execute0_lowered:
.L_overlay_start_1:
0x0: {  	(tag) =	ssettag $0x1  }
0x1: {  	s1 =	stileid.u32  }
0x2: {  	p0 =	sgt.u32 s1, $0x1  }
.Ltmp0:
0x3: {  	s3 =	rddreg [dreg:$0x0];
	(pc) =	sbr.rel @p0 .LBB2_4-.Ltmp0, $4  }
0x4: {  	s5 =	rddreg [dreg:$0x1]  }
0x5: {  	s10 =	rddreg [dreg:$0x2];
	s2 =	simm.s32 $0x0  }
0x6: {  	[smem:$0x7FF] =	sst s2  }
0x7: {  	s0 =	rddreg [dreg:$0x3];
	_ =	strace $0x80000047  }
0x8: {  	s4 =	srdreg.scid  }
0x9: {  	s30 =	sshll.u32 s1, $0x1;
	s6 =	sand.u32 $0x1, s4  }
0xa: {  	s7 =	sor.u32 s6, s30  }
0xb: {  	s11 =	sshll.u32 s7, $0x1  }
0xc: {  	s4 =	sadd.s32 s3, s11;
	s3 =	simm.s32 $0x2  }
0xd: {  	[tilespmem:s2], [sflag:$0x2] =	stream.linear.gather [hbm4b:s4+s2], $0x10, $0x38;
	[tilespmem:$0x180] =	vst v63  }
0xe: {  	_ =	swait.ge [sflag:s3], $0x10  }
0xf: {  	s7 =	sshll.u32 s7, $0x4;
	[sflag:s3] =	ssyncset.done $0x0  }
0x10: {  	v0 =	vmov s7;
	[sflag:s3] =	ssyncadd.s32 $0xFFFFFFF0  }
0x11: {  	v0 =	vmul.u32 $0xF4240, v0;
	v1 =	vld [tilespmem:$0x0]  }
0x12: {  	v2 =	vlaneseq.u32  }
0x13: {  	v2 =	vmul.u32 $0xF4240, v2;
	v0 =	vbroadcast v0, $0x0  }
0x14: {  	s12 =	ssub.s32 $0x2, s6  }
0x15: {  	s5 =	sadd.s32 $0x400, s5;
	s13 =	sshrl.u32 s12, $0x1;
	v0 =	vadd.s32 v2, v0  }
0x16: {  	s8 =	simm.s32 $0x100;
	s9 =	simm.s32 $0x1;
	s12 =	ssub.s32 s12, s13;
	v1 =	vadd.s32 v1, v0  }
0x17: {  	s6 =	simm.s32 $0x10;
	s7 =	simm.s32 $0x80;
	s31 =	smax.u32 s12, $0x1;
	[tilespmem:$0x80] =	vst v1  }
0x18: {  	[tilespmem:s8], [sflag:$0x1] =	stream.indirect.gather [hbm4b:s5+s6], $0x1, s7, s6, $0xb8;
	[tilespmem:$0x180] =	vst v63  }
0x19: {  	p0 =	sne.s32 s31, $0x1;
	_ =	swait.ge [sflag:s9], $0x10  }
.Ltmp1:
0x1a: {  	[sflag:s9] =	ssyncset.done $0x0;
	(pc) =	sbr.rel @!p0 .LBB2_3-.Ltmp1, $4  }
0x1b: {  	s10 =	sadd.s32 s10, s11;
	[sflag:s9] =	ssyncadd.s32 $0xFFFFFFF0  }
0x1c: {  	[hbm4b:s10+s2] =	stream.linear.scatter [tilespmem:s8], [sflag:$0x2], $0x10, $0x38;
	[tilespmem:$0x180] =	vst v63  }
0x1d: {  	_ =	swait.ge [sflag:s3], $0x10  }
0x1e: {  	s11 =	sadd.s32 $0xFFFFFFFF, s31;
	[sflag:s3] =	ssyncset.done $0x0  }
.LBB2_2:
0x1f: {  	p0 =	sne.s32 s11, $0x1;
	s11 =	sadd.s32 $0xFFFFFFFF, s11;
	[sflag:s3] =	ssyncadd.s32 $0xFFFFFFF0  }
0x20: {  	[tilespmem:s2], [sflag:$0x2] =	stream.linear.gather [hbm4b:s4+s2], $0x10, $0x38;
	[tilespmem:$0x180] =	vst v63  }
0x21: {  	_ =	swait.ge [sflag:s3], $0x10  }
0x22: {  	[sflag:s3] =	ssyncset.done $0x0  }
0x23: {  	[sflag:s3] =	ssyncadd.s32 $0xFFFFFFF0  }
0x24: {  	v1 =	vld [tilespmem:$0x0];
	_ =	sdelay $0x4  }
0x25: {  	v1 =	vadd.s32 v1, v0  }
0x26: {  	[tilespmem:$0x80] =	vst v1  }
0x27: {  	[tilespmem:s8], [sflag:$0x1] =	stream.indirect.gather [hbm4b:s5+s6], $0x1, s7, s6, $0xb8;
	[tilespmem:$0x180] =	vst v63  }
0x28: {  	_ =	swait.ge [sflag:s9], $0x10  }
.Ltmp2:
0x29: {  	[sflag:s9] =	ssyncset.done $0x0;
	(pc) =	sbr.rel @p0 .LBB2_2-.Ltmp2, $4  }
0x2a: {  	[sflag:s9] =	ssyncadd.s32 $0xFFFFFFF0  }
0x2b: {  	[hbm4b:s10+s2] =	stream.linear.scatter [tilespmem:s8], [sflag:$0x2], $0x10, $0x38;
	[tilespmem:$0x180] =	vst v63  }
0x2c: {  	_ =	swait.ge [sflag:s3], $0x10  }
0x2d: {  	[sflag:s3] =	ssyncset.done $0x0  }
.LBB2_3:
0x2e: {  	[sflag:s3] =	ssyncadd.s32 $0xFFFFFFF0  }
.LBB2_4:
0x2f: {  	_ =	sfence.sel $0x180000  }
0x30: {  	[bflag:$0x0] =	sbarrier.arrive $0xFFFF  }
0x31: {  	p0 =	sne.s32 s1, $0x0;
	_ =	strace $0x90000047  }
0x32: {  	s0 =	sadd.s32 @!p0 $0x100000, s0;
	[bflag:$0x2] =	sbarrier.arrive $0xFFFF  }
0x33: {  	[sflag:s0] =	ssyncadd.tile.s32 @!p0 $0x1;
	_ =	shalt  }
.Lfunc_end2:
_tile_overlayer_lowered:
.L_overlay_start_2:
0x34: {  	(tag) =	ssettag $0x2  }
0x35: {  	s0 =	rddreg [dreg:$0x0];
	s2 =	stileid.u32  }
0x36: {  	s1 =	rddreg [dreg:$0x1];
	p0 =	sne.s32 s2, $0x0  }
0x37: {  	s3 =	rddreg [dreg:$0x2];
	[bflag:$0x3] =	sbarrier.arrive $0xFFFF;
	s2 =	simm.s32 @!p0 $0x1C02  }
0x38: {  	[timem:s3], [sflag:s2] =	dma.local @!p0 [hbm:s0], s1  }
0x39: {  	s0 =	simm.s32 @!p0 $0x2  }
0x3a: {  	_ =	swait.ge @!p0 [sflag:s0], s1  }
0x3b: {  	s1 =	ssub.s32 @!p0 $0x0, s1;
	[sflag:s0] =	ssyncset.done @!p0 $0x0  }
0x3c: {  	[sflag:s0] =	ssyncadd.s32 @!p0 s1  }
0x3d: {  	[bflag:$0x3] =	sbarrier.arrive $0xFFFF  }
0x3e: {  	_ =	shalt  }

</sc_bundles>
